<compile_context>
chip_gen: v7x
topology: tpu7x:2x2x1
jax: 0.10.2.dev20260603
libtpu: 0.0.44.dev20260713+nightly
codegen_flags: <defaults>
</compile_context>

<pallas_src>
import functools

import jax
import jax.numpy as jnp
from jax import lax
from jax.experimental import pallas as pl
from jax.experimental.pallas import tpu as pltpu
from jax.experimental.pallas import tpu_sc as plsc

DIM = 32
LANES = 16
NUM_CORES = 2
NUM_SUBCORES = 16
NUM_WORKERS = NUM_CORES * NUM_SUBCORES
BATCH = 16384


def _build(batch):
    b_per_w = batch // NUM_WORKERS
    mesh = plsc.VectorSubcoreMesh(core_axis_name="c", subcore_axis_name="s")

    @functools.partial(
        pl.kernel,
        mesh=mesh,
        compiler_params=pltpu.CompilerParams(needs_layout_passes=False,
                                             use_tc_tiling_on_sc=False),
        out_type=jax.ShapeDtypeStruct((batch,), jnp.float32),
        scratch_types=[
            pltpu.VMEM((b_per_w,), jnp.int32),
            pltpu.VMEM((b_per_w,), jnp.int32),
            pltpu.VMEM((b_per_w, DIM), jnp.float32),
            pltpu.VMEM((b_per_w, DIM), jnp.float32),
            pltpu.VMEM((b_per_w,), jnp.float32),
            pltpu.VMEM((b_per_w,), jnp.float32),
            pltpu.VMEM((LANES,), jnp.float32),
            pltpu.VMEM((b_per_w,), jnp.float32),
            pltpu.VMEM((b_per_w,), jnp.float32),
            pltpu.SemaphoreType.DMA,
            pltpu.SemaphoreType.DMA,
            pltpu.SemaphoreType.DMA,
            pltpu.SemaphoreType.DMA,
        ],
    )
    def mf(user_hbm, item_hbm, uemb_hbm, iemb_hbm, ubias_hbm, ibias_hbm,
           gbias_hbm, out_hbm,
           uidx_v, iidx_v, urows_v, irows_v, ub_v, ib_v, gb_v, dots_v, out_v,
           sem_u, sem_i, sem_ub, sem_ib):
        wid = lax.axis_index("s") * NUM_CORES + lax.axis_index("c")
        base = wid * b_per_w

        pltpu.sync_copy(user_hbm.at[pl.ds(base, b_per_w)], uidx_v)
        pltpu.sync_copy(item_hbm.at[pl.ds(base, b_per_w)], iidx_v)
        pltpu.sync_copy(gbias_hbm, gb_v)

        cu = pltpu.async_copy(uemb_hbm.at[uidx_v], urows_v, sem_u)
        ci = pltpu.async_copy(iemb_hbm.at[iidx_v], irows_v, sem_i)
        cub = pltpu.async_copy(ubias_hbm.at[uidx_v], ub_v, sem_ub)
        cib = pltpu.async_copy(ibias_hbm.at[iidx_v], ib_v, sem_ib)
        cu.wait()
        ci.wait()

        lane = lax.iota(jnp.int32, LANES)
        last_lane = lane == (LANES - 1)

        def dot_body(b, carry):
            u0 = urows_v[b, pl.ds(0, LANES)]
            u1 = urows_v[b, pl.ds(LANES, LANES)]
            i0 = irows_v[b, pl.ds(0, LANES)]
            i1 = irows_v[b, pl.ds(LANES, LANES)]
            p = u0 * i0 + u1 * i1
            cum = plsc.cumsum(p)
            plsc.store_scatter(dots_v, [jnp.full((LANES,), b, jnp.int32)],
                               cum, mask=last_lane)
            return carry

        lax.fori_loop(0, b_per_w, dot_body, 0, unroll=8)

        cub.wait()
        cib.wait()
        gb = gb_v[...]

        def sig_body(g, carry):
            o = g * LANES
            x = (dots_v[pl.ds(o, LANES)] + ub_v[pl.ds(o, LANES)]
                 + ib_v[pl.ds(o, LANES)] + gb)
            out_v[pl.ds(o, LANES)] = 1.0 / (1.0 + jnp.exp(-x))
            return carry

        lax.fori_loop(0, b_per_w // LANES, sig_body, 0)

        pltpu.sync_copy(out_v, out_hbm.at[pl.ds(base, b_per_w)])

    return mf


_MF = _build(BATCH)


def kernel(user, item, user_embedding, item_embedding, user_bias, item_bias,
           bias):
    u = user.astype(jnp.int32)
    it = item.astype(jnp.int32)
    ub = user_bias.reshape(-1)
    ib = item_bias.reshape(-1)
    gb = jnp.broadcast_to(bias.astype(jnp.float32), (LANES,))
    return _MF(u, it, user_embedding, item_embedding, ub, ib, gb)

# --- scband reference (transcript-rebuilt; emitter-appended) ---
"""Pipeline reference for scband-mf-66984309948864 (READ-ONLY COPY).

The authoritative reference and input builder live on the scoring server;
editing this copy changes nothing except your own understanding.
"""

import jax, jax.numpy as jnp
import numpy as np

NUM_USERS = 1000000
NUM_ITEMS = 1000000
DIM = 32
BATCH = 16384


def setup_inputs(seed: int = 0) -> dict:
    key = jax.random.key(seed)
    k1, k2, k3, k4, k5, k6, k7 = jax.random.split(key, 7)
    user = jax.random.randint(k1, (BATCH,), 0, NUM_USERS, dtype=jnp.int64) if jax.config.jax_enable_x64 else jax.random.randint(k1, (BATCH,), 0, NUM_USERS).astype(jnp.int32)
    item = jax.random.randint(k2, (BATCH,), 0, NUM_ITEMS).astype(user.dtype)
    # parameters, matching torch init: embeddings ~ N(0, 0.01); biases default normal-ish small
    user_embedding = jax.random.normal(k3, (NUM_USERS + 1, DIM), dtype=jnp.float32) * 0.01
    item_embedding = jax.random.normal(k4, (NUM_ITEMS + 1, DIM), dtype=jnp.float32) * 0.01
    user_bias = jax.random.normal(k5, (NUM_USERS + 1, 1), dtype=jnp.float32) * 0.01
    item_bias = jax.random.normal(k6, (NUM_ITEMS + 1, 1), dtype=jnp.float32) * 0.01
    bias = jax.random.normal(k7, (1,), dtype=jnp.float32) * 0.01
    return {
        "user": user,
        "item": item,
        "user_embedding": user_embedding,
        "item_embedding": item_embedding,
        "user_bias": user_bias,
        "item_bias": item_bias,
        "bias": bias,
    }


def reference(user, item, user_embedding, item_embedding, user_bias, item_bias, bias):
    u = user.astype(jnp.int32)
    i = item.astype(jnp.int32)
    u_emb = jnp.take(user_embedding, u, axis=0)          # [B, D]
    i_emb = jnp.take(item_embedding, i, axis=0)          # [B, D]
    u_b = jnp.take(user_bias, u, axis=0).reshape(-1)      # [B]
    i_b = jnp.take(item_bias, i, axis=0).reshape(-1)      # [B]
    out = jnp.sum(u_emb * i_emb, axis=-1)                 # [B]
    out = out + u_b + i_b + bias
    logits = jax.nn.sigmoid(out)
    return logits

if __name__ == "__main__":
    import jax
    _d = setup_inputs()
    print(jax.jit(kernel)(*tuple(_d.values())))

</pallas_src>

<mosaic_0001>
#map = affine_map<(d0, d1) -> (0)>
#map1 = affine_map<(d0, d1) -> (0, 0)>
module attributes {stable_mosaic.version = 14 : i64} {
  func.func @mf(%arg0: i32, %arg1: i32, %arg2: memref<16384xi32, #tpu.memory_space<hbm>>, %arg3: memref<16384xi32, #tpu.memory_space<hbm>>, %arg4: memref<1000001x32xf32, #tpu.memory_space<hbm>>, %arg5: memref<1000001x32xf32, #tpu.memory_space<hbm>>, %arg6: memref<1000001xf32, #tpu.memory_space<hbm>>, %arg7: memref<1000001xf32, #tpu.memory_space<hbm>>, %arg8: memref<16xf32, #tpu.memory_space<hbm>>, %arg9: memref<16384xf32, #tpu.memory_space<hbm>>, %arg10: memref<512xi32, #tpu.memory_space<vmem>>, %arg11: memref<512xi32, #tpu.memory_space<vmem>>, %arg12: memref<512x32xf32, #tpu.memory_space<vmem>>, %arg13: memref<512x32xf32, #tpu.memory_space<vmem>>, %arg14: memref<512xf32, #tpu.memory_space<vmem>>, %arg15: memref<512xf32, #tpu.memory_space<vmem>>, %arg16: memref<16xf32, #tpu.memory_space<vmem>>, %arg17: memref<512xf32, #tpu.memory_space<vmem>>, %arg18: memref<512xf32, #tpu.memory_space<vmem>>, %arg19: memref<!tpu.dma_semaphore, #tpu.memory_space<semaphore_mem>>, %arg20: memref<!tpu.dma_semaphore, #tpu.memory_space<semaphore_mem>>, %arg21: memref<!tpu.dma_semaphore, #tpu.memory_space<semaphore_mem>>, %arg22: memref<!tpu.dma_semaphore, #tpu.memory_space<semaphore_mem>>) attributes {dimension_semantics = [#tpu.dimension_semantics<core_parallel>, #tpu.dimension_semantics<subcore_parallel>], iteration_bounds = array<i64: 2, 16>, scalar_prefetch = 0 : i64, scratch_operands = 13 : i64, tpu.core_type = #tpu.core_type<sc_vector_subcore>, window_params = [{transform_indices = #map}, {transform_indices = #map}, {transform_indices = #map1}, {transform_indices = #map1}, {transform_indices = #map}, {transform_indices = #map}, {transform_indices = #map}, {transform_indices = #map}]} {
    %mul3A = arith.constant 2 : i32
    %mul3A_0 = arith.muli %arg1, %mul3A : i32
    %add3A = arith.addi %mul3A_0, %arg0 : i32
    %mul3A_1 = arith.constant 512 : i32
    %mul3A_2 = arith.muli %add3A, %mul3A_1 : i32
    "tpu.region"() ({
      %run_scoped3A = tpu.sem_alloc : memref<!tpu.dma_semaphore, #tpu.memory_space<semaphore_mem>>
      %dma_start3A_35 = tpu.memref_slice %arg2[%mul3A_2] : memref<16384xi32, #tpu.memory_space<hbm>> -> memref<512xi32, #tpu.memory_space<hbm>>
      %dma_start3A_36 = tpu.memref_slice %arg2[%mul3A_2] : memref<16384xi32, #tpu.memory_space<hbm>> -> memref<512xi32, #tpu.memory_space<hbm>>
      tpu.enqueue_dma source(%dma_start3A_36 : memref<512xi32, #tpu.memory_space<hbm>>) target(%arg10 : memref<512xi32, #tpu.memory_space<vmem>>) target_semaphore(%run_scoped3A : memref<!tpu.dma_semaphore, #tpu.memory_space<semaphore_mem>>)
      %dma_wait3A_37 = tpu.memref_slice %arg2[%mul3A_2] : memref<16384xi32, #tpu.memory_space<hbm>> -> memref<512xi32, #tpu.memory_space<hbm>>
      %dma_wait3A_38 = tpu.memref_slice %arg2[%mul3A_2] : memref<16384xi32, #tpu.memory_space<hbm>> -> memref<512xi32, #tpu.memory_space<hbm>>
      tpu.wait_dma2 semaphore(%run_scoped3A : memref<!tpu.dma_semaphore, #tpu.memory_space<semaphore_mem>>) src(%dma_wait3A_38 : memref<512xi32, #tpu.memory_space<hbm>>) dst(%arg10 : memref<512xi32, #tpu.memory_space<vmem>>)
      tpu.yield
    }) : () -> ()
    "tpu.region"() ({
      %run_scoped3A = tpu.sem_alloc : memref<!tpu.dma_semaphore, #tpu.memory_space<semaphore_mem>>
      %dma_start3A_35 = tpu.memref_slice %arg3[%mul3A_2] : memref<16384xi32, #tpu.memory_space<hbm>> -> memref<512xi32, #tpu.memory_space<hbm>>
      %dma_start3A_36 = tpu.memref_slice %arg3[%mul3A_2] : memref<16384xi32, #tpu.memory_space<hbm>> -> memref<512xi32, #tpu.memory_space<hbm>>
      tpu.enqueue_dma source(%dma_start3A_36 : memref<512xi32, #tpu.memory_space<hbm>>) target(%arg11 : memref<512xi32, #tpu.memory_space<vmem>>) target_semaphore(%run_scoped3A : memref<!tpu.dma_semaphore, #tpu.memory_space<semaphore_mem>>)
      %dma_wait3A_37 = tpu.memref_slice %arg3[%mul3A_2] : memref<16384xi32, #tpu.memory_space<hbm>> -> memref<512xi32, #tpu.memory_space<hbm>>
      %dma_wait3A_38 = tpu.memref_slice %arg3[%mul3A_2] : memref<16384xi32, #tpu.memory_space<hbm>> -> memref<512xi32, #tpu.memory_space<hbm>>
      tpu.wait_dma2 semaphore(%run_scoped3A : memref<!tpu.dma_semaphore, #tpu.memory_space<semaphore_mem>>) src(%dma_wait3A_38 : memref<512xi32, #tpu.memory_space<hbm>>) dst(%arg11 : memref<512xi32, #tpu.memory_space<vmem>>)
      tpu.yield
    }) : () -> ()
    "tpu.region"() ({
      %run_scoped3A = tpu.sem_alloc : memref<!tpu.dma_semaphore, #tpu.memory_space<semaphore_mem>>
      tpu.enqueue_dma source(%arg8 : memref<16xf32, #tpu.memory_space<hbm>>) target(%arg16 : memref<16xf32, #tpu.memory_space<vmem>>) target_semaphore(%run_scoped3A : memref<!tpu.dma_semaphore, #tpu.memory_space<semaphore_mem>>)
      tpu.wait_dma2 semaphore(%run_scoped3A : memref<!tpu.dma_semaphore, #tpu.memory_space<semaphore_mem>>) src(%arg8 : memref<16xf32, #tpu.memory_space<hbm>>) dst(%arg16 : memref<16xf32, #tpu.memory_space<vmem>>)
      tpu.yield
    }) : () -> ()
    %dma_start3A = arith.constant 0 : i32
    %dma_start3A_3 = arith.constant 0 : i32
    %dma_start3A_4 = tpu.memref_slice %arg4[%dma_start3A, %dma_start3A_3] : memref<1000001x32xf32, #tpu.memory_space<hbm>> -> memref<1000001x32xf32, #tpu.memory_space<hbm>>
    tpu.enqueue_indirect_dma source(%dma_start3A_4 : memref<1000001x32xf32, #tpu.memory_space<hbm>>) target(%arg12 : memref<512x32xf32, #tpu.memory_space<vmem>>) offsets(%arg10 : memref<512xi32, #tpu.memory_space<vmem>>) semaphore(%arg19 : memref<!tpu.dma_semaphore, #tpu.memory_space<semaphore_mem>>)
    %dma_start3A_5 = arith.constant 0 : i32
    %dma_start3A_6 = arith.constant 0 : i32
    %dma_start3A_7 = tpu.memref_slice %arg5[%dma_start3A_5, %dma_start3A_6] : memref<1000001x32xf32, #tpu.memory_space<hbm>> -> memref<1000001x32xf32, #tpu.memory_space<hbm>>
    tpu.enqueue_indirect_dma source(%dma_start3A_7 : memref<1000001x32xf32, #tpu.memory_space<hbm>>) target(%arg13 : memref<512x32xf32, #tpu.memory_space<vmem>>) offsets(%arg11 : memref<512xi32, #tpu.memory_space<vmem>>) semaphore(%arg20 : memref<!tpu.dma_semaphore, #tpu.memory_space<semaphore_mem>>)
    %dma_start3A_8 = arith.constant 0 : i32
    %dma_start3A_9 = tpu.memref_slice %arg6[%dma_start3A_8] : memref<1000001xf32, #tpu.memory_space<hbm>> -> memref<1000001xf32, #tpu.memory_space<hbm>>
    tpu.enqueue_indirect_dma source(%dma_start3A_9 : memref<1000001xf32, #tpu.memory_space<hbm>>) target(%arg14 : memref<512xf32, #tpu.memory_space<vmem>>) offsets(%arg10 : memref<512xi32, #tpu.memory_space<vmem>>) semaphore(%arg21 : memref<!tpu.dma_semaphore, #tpu.memory_space<semaphore_mem>>)
    %dma_start3A_10 = arith.constant 0 : i32
    %dma_start3A_11 = tpu.memref_slice %arg7[%dma_start3A_10] : memref<1000001xf32, #tpu.memory_space<hbm>> -> memref<1000001xf32, #tpu.memory_space<hbm>>
    tpu.enqueue_indirect_dma source(%dma_start3A_11 : memref<1000001xf32, #tpu.memory_space<hbm>>) target(%arg15 : memref<512xf32, #tpu.memory_space<vmem>>) offsets(%arg11 : memref<512xi32, #tpu.memory_space<vmem>>) semaphore(%arg22 : memref<!tpu.dma_semaphore, #tpu.memory_space<semaphore_mem>>)
    %dma_wait3A = arith.constant 0 : i32
    %dma_wait3A_12 = arith.constant 0 : i32
    %dma_wait3A_13 = tpu.memref_slice %arg4[%dma_wait3A, %dma_wait3A_12] : memref<1000001x32xf32, #tpu.memory_space<hbm>> -> memref<1000001x32xf32, #tpu.memory_space<hbm>>
    tpu.wait_indirect_dma semaphore(%arg19 : memref<!tpu.dma_semaphore, #tpu.memory_space<semaphore_mem>>) src(%dma_wait3A_13 : memref<1000001x32xf32, #tpu.memory_space<hbm>>) dst(%arg12 : memref<512x32xf32, #tpu.memory_space<vmem>>)
    %dma_wait3A_14 = arith.constant 0 : i32
    %dma_wait3A_15 = arith.constant 0 : i32
    %dma_wait3A_16 = tpu.memref_slice %arg5[%dma_wait3A_14, %dma_wait3A_15] : memref<1000001x32xf32, #tpu.memory_space<hbm>> -> memref<1000001x32xf32, #tpu.memory_space<hbm>>
    tpu.wait_indirect_dma semaphore(%arg20 : memref<!tpu.dma_semaphore, #tpu.memory_space<semaphore_mem>>) src(%dma_wait3A_16 : memref<1000001x32xf32, #tpu.memory_space<hbm>>) dst(%arg13 : memref<512x32xf32, #tpu.memory_space<vmem>>)
    %iota3A = tpu.iota {dimensions = array<i32: 0>} : vector<16xi32>
    %eq3A = arith.constant 15 : i32
    %eq3A_17 = vector.broadcast %eq3A : i32 to vector<16xi32>
    %eq3A_18 = arith.cmpi eq, %iota3A, %eq3A_17 : vector<16xi32>
    %scan3A = arith.constant 0 : i32
    %scan3A_19 = arith.constant 0 : i32
    %scan3A_20 = arith.constant 512 : i32
    %scan3A_21 = arith.addi %scan3A_19, %scan3A_20 : i32
    %scan3A_22 = arith.constant 8 : i32
    scf.for %scan3A_35 = %scan3A_19 to %scan3A_21 step %scan3A_22  : i32 {
      %get3A_36 = arith.index_cast %scan3A_35 : i32 to index
      %get3A_37 = arith.constant 0 : index
      %get3A_38 = tpu.vector_load %arg12[%get3A_36, %get3A_37] {strides = array<i32>} : memref<512x32xf32, #tpu.memory_space<vmem>>, vector<16xf32>,
      %get3A_39 = arith.index_cast %scan3A_35 : i32 to index
      %get3A_40 = arith.constant 16 : index
      %get3A_41 = tpu.vector_load %arg12[%get3A_39, %get3A_40] {strides = array<i32>} : memref<512x32xf32, #tpu.memory_space<vmem>>, vector<16xf32>,
      %get3A_42 = arith.index_cast %scan3A_35 : i32 to index
      %get3A_43 = arith.constant 0 : index
      %get3A_44 = tpu.vector_load %arg13[%get3A_42, %get3A_43] {strides = array<i32>} : memref<512x32xf32, #tpu.memory_space<vmem>>, vector<16xf32>,
      %get3A_45 = arith.index_cast %scan3A_35 : i32 to index
      %get3A_46 = arith.constant 16 : index
      %get3A_47 = tpu.vector_load %arg13[%get3A_45, %get3A_46] {strides = array<i32>} : memref<512x32xf32, #tpu.memory_space<vmem>>, vector<16xf32>,
      %mul3A_48 = arith.mulf %get3A_38, %get3A_44 : vector<16xf32>
      %mul3A_49 = arith.mulf %get3A_41, %get3A_47 : vector<16xf32>
      %add3A_50 = arith.addf %mul3A_48, %mul3A_49 : vector<16xf32>
      %broadcast_in_dim3A = arith.constant true
      %broadcast_in_dim3A_51 = vector.broadcast %broadcast_in_dim3A : i1 to vector<16xi1>
      %masked_cumsum3A = tpu.scan <sum>, %add3A_50 masked %broadcast_in_dim3A_51 : vector<16xf32>, vector<16xi1> -> vector<16xf32>
      %broadcast_in_dim3A_52 = vector.broadcast %scan3A_35 : i32 to vector<16xi32>
      tpu.vector_store_idx %arg17[%broadcast_in_dim3A_52], %masked_cumsum3A masked %eq3A_18 : memref<512xf32, #tpu.memory_space<vmem>>[vector<16xi32>], vector<16xf32>, vector<16xi1>
      %scan3A_53 = arith.constant 1 : i32
      %scan3A_54 = arith.addi %scan3A_35, %scan3A_53 : i32
      %get3A_55 = arith.index_cast %scan3A_54 : i32 to index
      %get3A_56 = arith.constant 0 : index
      %get3A_57 = tpu.vector_load %arg12[%get3A_55, %get3A_56] {strides = array<i32>} : memref<512x32xf32, #tpu.memory_space<vmem>>, vector<16xf32>,
      %get3A_58 = arith.index_cast %scan3A_54 : i32 to index
      %get3A_59 = arith.constant 16 : index
      %get3A_60 = tpu.vector_load %arg12[%get3A_58, %get3A_59] {strides = array<i32>} : memref<512x32xf32, #tpu.memory_space<vmem>>, vector<16xf32>,
      %get3A_61 = arith.index_cast %scan3A_54 : i32 to index
      %get3A_62 = arith.constant 0 : index
      %get3A_63 = tpu.vector_load %arg13[%get3A_61, %get3A_62] {strides = array<i32>} : memref<512x32xf32, #tpu.memory_space<vmem>>, vector<16xf32>,
      %get3A_64 = arith.index_cast %scan3A_54 : i32 to index
      %get3A_65 = arith.constant 16 : index
      %get3A_66 = tpu.vector_load %arg13[%get3A_64, %get3A_65] {strides = array<i32>} : memref<512x32xf32, #tpu.memory_space<vmem>>, vector<16xf32>,
      %mul3A_67 = arith.mulf %get3A_57, %get3A_63 : vector<16xf32>
      %mul3A_68 = arith.mulf %get3A_60, %get3A_66 : vector<16xf32>
      %add3A_69 = arith.addf %mul3A_67, %mul3A_68 : vector<16xf32>
      %broadcast_in_dim3A_70 = arith.constant true
      %broadcast_in_dim3A_71 = vector.broadcast %broadcast_in_dim3A_70 : i1 to vector<16xi1>
      %masked_cumsum3A_72 = tpu.scan <sum>, %add3A_69 masked %broadcast_in_dim3A_71 : vector<16xf32>, vector<16xi1> -> vector<16xf32>
      %broadcast_in_dim3A_73 = vector.broadcast %scan3A_54 : i32 to vector<16xi32>
      tpu.vector_store_idx %arg17[%broadcast_in_dim3A_73], %masked_cumsum3A_72 masked %eq3A_18 : memref<512xf32, #tpu.memory_space<vmem>>[vector<16xi32>], vector<16xf32>, vector<16xi1>
      %scan3A_74 = arith.constant 2 : i32
      %scan3A_75 = arith.addi %scan3A_35, %scan3A_74 : i32
      %get3A_76 = arith.index_cast %scan3A_75 : i32 to index
      %get3A_77 = arith.constant 0 : index
      %get3A_78 = tpu.vector_load %arg12[%get3A_76, %get3A_77] {strides = array<i32>} : memref<512x32xf32, #tpu.memory_space<vmem>>, vector<16xf32>,
      %get3A_79 = arith.index_cast %scan3A_75 : i32 to index
      %get3A_80 = arith.constant 16 : index
      %get3A_81 = tpu.vector_load %arg12[%get3A_79, %get3A_80] {strides = array<i32>} : memref<512x32xf32, #tpu.memory_space<vmem>>, vector<16xf32>,
      %get3A_82 = arith.index_cast %scan3A_75 : i32 to index
      %get3A_83 = arith.constant 0 : index
      %get3A_84 = tpu.vector_load %arg13[%get3A_82, %get3A_83] {strides = array<i32>} : memref<512x32xf32, #tpu.memory_space<vmem>>, vector<16xf32>,
      %get3A_85 = arith.index_cast %scan3A_75 : i32 to index
      %get3A_86 = arith.constant 16 : index
      %get3A_87 = tpu.vector_load %arg13[%get3A_85, %get3A_86] {strides = array<i32>} : memref<512x32xf32, #tpu.memory_space<vmem>>, vector<16xf32>,
      %mul3A_88 = arith.mulf %get3A_78, %get3A_84 : vector<16xf32>
      %mul3A_89 = arith.mulf %get3A_81, %get3A_87 : vector<16xf32>
      %add3A_90 = arith.addf %mul3A_88, %mul3A_89 : vector<16xf32>
      %broadcast_in_dim3A_91 = arith.constant true
      %broadcast_in_dim3A_92 = vector.broadcast %broadcast_in_dim3A_91 : i1 to vector<16xi1>
      %masked_cumsum3A_93 = tpu.scan <sum>, %add3A_90 masked %broadcast_in_dim3A_92 : vector<16xf32>, vector<16xi1> -> vector<16xf32>
      %broadcast_in_dim3A_94 = vector.broadcast %scan3A_75 : i32 to vector<16xi32>
      tpu.vector_store_idx %arg17[%broadcast_in_dim3A_94], %masked_cumsum3A_93 masked %eq3A_18 : memref<512xf32, #tpu.memory_space<vmem>>[vector<16xi32>], vector<16xf32>, vector<16xi1>
      %scan3A_95 = arith.constant 3 : i32
      %scan3A_96 = arith.addi %scan3A_35, %scan3A_95 : i32
      %get3A_97 = arith.index_cast %scan3A_96 : i32 to index
      %get3A_98 = arith.constant 0 : index
      %get3A_99 = tpu.vector_load %arg12[%get3A_97, %get3A_98] {strides = array<i32>} : memref<512x32xf32, #tpu.memory_space<vmem>>, vector<16xf32>,
      %get3A_100 = arith.index_cast %scan3A_96 : i32 to index
      %get3A_101 = arith.constant 16 : index
      %get3A_102 = tpu.vector_load %arg12[%get3A_100, %get3A_101] {strides = array<i32>} : memref<512x32xf32, #tpu.memory_space<vmem>>, vector<16xf32>,
      %get3A_103 = arith.index_cast %scan3A_96 : i32 to index
      %get3A_104 = arith.constant 0 : index
      %get3A_105 = tpu.vector_load %arg13[%get3A_103, %get3A_104] {strides = array<i32>} : memref<512x32xf32, #tpu.memory_space<vmem>>, vector<16xf32>,
      %get3A_106 = arith.index_cast %scan3A_96 : i32 to index
      %get3A_107 = arith.constant 16 : index
      %get3A_108 = tpu.vector_load %arg13[%get3A_106, %get3A_107] {strides = array<i32>} : memref<512x32xf32, #tpu.memory_space<vmem>>, vector<16xf32>,
      %mul3A_109 = arith.mulf %get3A_99, %get3A_105 : vector<16xf32>
      %mul3A_110 = arith.mulf %get3A_102, %get3A_108 : vector<16xf32>
      %add3A_111 = arith.addf %mul3A_109, %mul3A_110 : vector<16xf32>
      %broadcast_in_dim3A_112 = arith.constant true
      %broadcast_in_dim3A_113 = vector.broadcast %broadcast_in_dim3A_112 : i1 to vector<16xi1>
      %masked_cumsum3A_114 = tpu.scan <sum>, %add3A_111 masked %broadcast_in_dim3A_113 : vector<16xf32>, vector<16xi1> -> vector<16xf32>
      %broadcast_in_dim3A_115 = vector.broadcast %scan3A_96 : i32 to vector<16xi32>
      tpu.vector_store_idx %arg17[%broadcast_in_dim3A_115], %masked_cumsum3A_114 masked %eq3A_18 : memref<512xf32, #tpu.memory_space<vmem>>[vector<16xi32>], vector<16xf32>, vector<16xi1>
      %scan3A_116 = arith.constant 4 : i32
      %scan3A_117 = arith.addi %scan3A_35, %scan3A_116 : i32
      %get3A_118 = arith.index_cast %scan3A_117 : i32 to index
      %get3A_119 = arith.constant 0 : index
      %get3A_120 = tpu.vector_load %arg12[%get3A_118, %get3A_119] {strides = array<i32>} : memref<512x32xf32, #tpu.memory_space<vmem>>, vector<16xf32>,
      %get3A_121 = arith.index_cast %scan3A_117 : i32 to index
      %get3A_122 = arith.constant 16 : index
      %get3A_123 = tpu.vector_load %arg12[%get3A_121, %get3A_122] {strides = array<i32>} : memref<512x32xf32, #tpu.memory_space<vmem>>, vector<16xf32>,
      %get3A_124 = arith.index_cast %scan3A_117 : i32 to index
      %get3A_125 = arith.constant 0 : index
      %get3A_126 = tpu.vector_load %arg13[%get3A_124, %get3A_125] {strides = array<i32>} : memref<512x32xf32, #tpu.memory_space<vmem>>, vector<16xf32>,
      %get3A_127 = arith.index_cast %scan3A_117 : i32 to index
      %get3A_128 = arith.constant 16 : index
      %get3A_129 = tpu.vector_load %arg13[%get3A_127, %get3A_128] {strides = array<i32>} : memref<512x32xf32, #tpu.memory_space<vmem>>, vector<16xf32>,
      %mul3A_130 = arith.mulf %get3A_120, %get3A_126 : vector<16xf32>
      %mul3A_131 = arith.mulf %get3A_123, %get3A_129 : vector<16xf32>
      %add3A_132 = arith.addf %mul3A_130, %mul3A_131 : vector<16xf32>
      %broadcast_in_dim3A_133 = arith.constant true
      %broadcast_in_dim3A_134 = vector.broadcast %broadcast_in_dim3A_133 : i1 to vector<16xi1>
      %masked_cumsum3A_135 = tpu.scan <sum>, %add3A_132 masked %broadcast_in_dim3A_134 : vector<16xf32>, vector<16xi1> -> vector<16xf32>
      %broadcast_in_dim3A_136 = vector.broadcast %scan3A_117 : i32 to vector<16xi32>
      tpu.vector_store_idx %arg17[%broadcast_in_dim3A_136], %masked_cumsum3A_135 masked %eq3A_18 : memref<512xf32, #tpu.memory_space<vmem>>[vector<16xi32>], vector<16xf32>, vector<16xi1>
      %scan3A_137 = arith.constant 5 : i32
      %scan3A_138 = arith.addi %scan3A_35, %scan3A_137 : i32
      %get3A_139 = arith.index_cast %scan3A_138 : i32 to index
      %get3A_140 = arith.constant 0 : index
      %get3A_141 = tpu.vector_load %arg12[%get3A_139, %get3A_140] {strides = array<i32>} : memref<512x32xf32, #tpu.memory_space<vmem>>, vector<16xf32>,
      %get3A_142 = arith.index_cast %scan3A_138 : i32 to index
      %get3A_143 = arith.constant 16 : index
      %get3A_144 = tpu.vector_load %arg12[%get3A_142, %get3A_143] {strides = array<i32>} : memref<512x32xf32, #tpu.memory_space<vmem>>, vector<16xf32>,
      %get3A_145 = arith.index_cast %scan3A_138 : i32 to index
      %get3A_146 = arith.constant 0 : index
      %get3A_147 = tpu.vector_load %arg13[%get3A_145, %get3A_146] {strides = array<i32>} : memref<512x32xf32, #tpu.memory_space<vmem>>, vector<16xf32>,
      %get3A_148 = arith.index_cast %scan3A_138 : i32 to index
      %get3A_149 = arith.constant 16 : index
      %get3A_150 = tpu.vector_load %arg13[%get3A_148, %get3A_149] {strides = array<i32>} : memref<512x32xf32, #tpu.memory_space<vmem>>, vector<16xf32>,
      %mul3A_151 = arith.mulf %get3A_141, %get3A_147 : vector<16xf32>
      %mul3A_152 = arith.mulf %get3A_144, %get3A_150 : vector<16xf32>
      %add3A_153 = arith.addf %mul3A_151, %mul3A_152 : vector<16xf32>
      %broadcast_in_dim3A_154 = arith.constant true
      %broadcast_in_dim3A_155 = vector.broadcast %broadcast_in_dim3A_154 : i1 to vector<16xi1>
      %masked_cumsum3A_156 = tpu.scan <sum>, %add3A_153 masked %broadcast_in_dim3A_155 : vector<16xf32>, vector<16xi1> -> vector<16xf32>
      %broadcast_in_dim3A_157 = vector.broadcast %scan3A_138 : i32 to vector<16xi32>
      tpu.vector_store_idx %arg17[%broadcast_in_dim3A_157], %masked_cumsum3A_156 masked %eq3A_18 : memref<512xf32, #tpu.memory_space<vmem>>[vector<16xi32>], vector<16xf32>, vector<16xi1>
      %scan3A_158 = arith.constant 6 : i32
      %scan3A_159 = arith.addi %scan3A_35, %scan3A_158 : i32
      %get3A_160 = arith.index_cast %scan3A_159 : i32 to index
      %get3A_161 = arith.constant 0 : index
      %get3A_162 = tpu.vector_load %arg12[%get3A_160, %get3A_161] {strides = array<i32>} : memref<512x32xf32, #tpu.memory_space<vmem>>, vector<16xf32>,
      %get3A_163 = arith.index_cast %scan3A_159 : i32 to index
      %get3A_164 = arith.constant 16 : index
      %get3A_165 = tpu.vector_load %arg12[%get3A_163, %get3A_164] {strides = array<i32>} : memref<512x32xf32, #tpu.memory_space<vmem>>, vector<16xf32>,
      %get3A_166 = arith.index_cast %scan3A_159 : i32 to index
      %get3A_167 = arith.constant 0 : index
      %get3A_168 = tpu.vector_load %arg13[%get3A_166, %get3A_167] {strides = array<i32>} : memref<512x32xf32, #tpu.memory_space<vmem>>, vector<16xf32>,
      %get3A_169 = arith.index_cast %scan3A_159 : i32 to index
      %get3A_170 = arith.constant 16 : index
      %get3A_171 = tpu.vector_load %arg13[%get3A_169, %get3A_170] {strides = array<i32>} : memref<512x32xf32, #tpu.memory_space<vmem>>, vector<16xf32>,
      %mul3A_172 = arith.mulf %get3A_162, %get3A_168 : vector<16xf32>
      %mul3A_173 = arith.mulf %get3A_165, %get3A_171 : vector<16xf32>
      %add3A_174 = arith.addf %mul3A_172, %mul3A_173 : vector<16xf32>
      %broadcast_in_dim3A_175 = arith.constant true
      %broadcast_in_dim3A_176 = vector.broadcast %broadcast_in_dim3A_175 : i1 to vector<16xi1>
      %masked_cumsum3A_177 = tpu.scan <sum>, %add3A_174 masked %broadcast_in_dim3A_176 : vector<16xf32>, vector<16xi1> -> vector<16xf32>
      %broadcast_in_dim3A_178 = vector.broadcast %scan3A_159 : i32 to vector<16xi32>
      tpu.vector_store_idx %arg17[%broadcast_in_dim3A_178], %masked_cumsum3A_177 masked %eq3A_18 : memref<512xf32, #tpu.memory_space<vmem>>[vector<16xi32>], vector<16xf32>, vector<16xi1>
      %scan3A_179 = arith.constant 7 : i32
      %scan3A_180 = arith.addi %scan3A_35, %scan3A_179 : i32
      %get3A_181 = arith.index_cast %scan3A_180 : i32 to index
      %get3A_182 = arith.constant 0 : index
      %get3A_183 = tpu.vector_load %arg12[%get3A_181, %get3A_182] {strides = array<i32>} : memref<512x32xf32, #tpu.memory_space<vmem>>, vector<16xf32>,
      %get3A_184 = arith.index_cast %scan3A_180 : i32 to index
      %get3A_185 = arith.constant 16 : index
      %get3A_186 = tpu.vector_load %arg12[%get3A_184, %get3A_185] {strides = array<i32>} : memref<512x32xf32, #tpu.memory_space<vmem>>, vector<16xf32>,
      %get3A_187 = arith.index_cast %scan3A_180 : i32 to index
      %get3A_188 = arith.constant 0 : index
      %get3A_189 = tpu.vector_load %arg13[%get3A_187, %get3A_188] {strides = array<i32>} : memref<512x32xf32, #tpu.memory_space<vmem>>, vector<16xf32>,
      %get3A_190 = arith.index_cast %scan3A_180 : i32 to index
      %get3A_191 = arith.constant 16 : index
      %get3A_192 = tpu.vector_load %arg13[%get3A_190, %get3A_191] {strides = array<i32>} : memref<512x32xf32, #tpu.memory_space<vmem>>, vector<16xf32>,
      %mul3A_193 = arith.mulf %get3A_183, %get3A_189 : vector<16xf32>
      %mul3A_194 = arith.mulf %get3A_186, %get3A_192 : vector<16xf32>
      %add3A_195 = arith.addf %mul3A_193, %mul3A_194 : vector<16xf32>
      %broadcast_in_dim3A_196 = arith.constant true
      %broadcast_in_dim3A_197 = vector.broadcast %broadcast_in_dim3A_196 : i1 to vector<16xi1>
      %masked_cumsum3A_198 = tpu.scan <sum>, %add3A_195 masked %broadcast_in_dim3A_197 : vector<16xf32>, vector<16xi1> -> vector<16xf32>
      %broadcast_in_dim3A_199 = vector.broadcast %scan3A_180 : i32 to vector<16xi32>
      tpu.vector_store_idx %arg17[%broadcast_in_dim3A_199], %masked_cumsum3A_198 masked %eq3A_18 : memref<512xf32, #tpu.memory_space<vmem>>[vector<16xi32>], vector<16xf32>, vector<16xi1>
    }
    %scan3A_23 = arith.constant 512 : i32
    %dma_wait3A_24 = arith.constant 0 : i32
    %dma_wait3A_25 = tpu.memref_slice %arg6[%dma_wait3A_24] : memref<1000001xf32, #tpu.memory_space<hbm>> -> memref<1000001xf32, #tpu.memory_space<hbm>>
    tpu.wait_indirect_dma semaphore(%arg21 : memref<!tpu.dma_semaphore, #tpu.memory_space<semaphore_mem>>) src(%dma_wait3A_25 : memref<1000001xf32, #tpu.memory_space<hbm>>) dst(%arg14 : memref<512xf32, #tpu.memory_space<vmem>>)
    %dma_wait3A_26 = arith.constant 0 : i32
    %dma_wait3A_27 = tpu.memref_slice %arg7[%dma_wait3A_26] : memref<1000001xf32, #tpu.memory_space<hbm>> -> memref<1000001xf32, #tpu.memory_space<hbm>>
    tpu.wait_indirect_dma semaphore(%arg22 : memref<!tpu.dma_semaphore, #tpu.memory_space<semaphore_mem>>) src(%dma_wait3A_27 : memref<1000001xf32, #tpu.memory_space<hbm>>) dst(%arg15 : memref<512xf32, #tpu.memory_space<vmem>>)
    %get3A = arith.constant 0 : index
    %get3A_28 = tpu.vector_load %arg16[%get3A] {strides = array<i32>} : memref<16xf32, #tpu.memory_space<vmem>>, vector<16xf32>,
    %scan3A_29 = arith.constant 0 : i32
    %scan3A_30 = arith.constant 0 : i32
    %scan3A_31 = arith.constant 32 : i32
    %scan3A_32 = arith.addi %scan3A_30, %scan3A_31 : i32
    %scan3A_33 = arith.constant 1 : i32
    scf.for %scan3A_35 = %scan3A_30 to %scan3A_32 step %scan3A_33  : i32 {
      %mul3A_36 = arith.constant 16 : i32
      %mul3A_37 = arith.muli %scan3A_35, %mul3A_36 : i32
      %get3A_38 = arith.index_cast %mul3A_37 : i32 to index
      %get3A_39 = tpu.vector_load %arg17[%get3A_38] {strides = array<i32>} : memref<512xf32, #tpu.memory_space<vmem>>, vector<16xf32>,
      %get3A_40 = arith.index_cast %mul3A_37 : i32 to index
      %get3A_41 = tpu.vector_load %arg14[%get3A_40] {strides = array<i32>} : memref<512xf32, #tpu.memory_space<vmem>>, vector<16xf32>,
      %add3A_42 = arith.addf %get3A_39, %get3A_41 : vector<16xf32>
      %get3A_43 = arith.index_cast %mul3A_37 : i32 to index
      %get3A_44 = tpu.vector_load %arg15[%get3A_43] {strides = array<i32>} : memref<512xf32, #tpu.memory_space<vmem>>, vector<16xf32>,
      %add3A_45 = arith.addf %add3A_42, %get3A_44 : vector<16xf32>
      %add3A_46 = arith.addf %add3A_45, %get3A_28 : vector<16xf32>
      %neg3A = arith.constant 0.000000e+00 : f32
      %neg3A_47 = vector.broadcast %neg3A : f32 to vector<16xf32>
      %neg3A_48 = arith.subf %neg3A_47, %add3A_46 : vector<16xf32>
      %exp3A = math.exp %neg3A_48 : vector<16xf32>
      %add3A_49 = arith.constant 1.000000e+00 : f32
      %add3A_50 = vector.broadcast %add3A_49 : f32 to vector<16xf32>
      %add3A_51 = arith.addf %add3A_50, %exp3A : vector<16xf32>
      %div3A = arith.constant 1.000000e+00 : f32
      %div3A_52 = vector.broadcast %div3A : f32 to vector<16xf32>
      %div3A_53 = arith.divf %div3A_52, %add3A_51 : vector<16xf32>
      %swap3A = arith.index_cast %mul3A_37 : i32 to index
      %swap3A_54 = tpu.vector_load %arg18[%swap3A] {strides = array<i32>} : memref<512xf32, #tpu.memory_space<vmem>>, vector<16xf32>,
      tpu.vector_store %arg18[%swap3A], %div3A_53 {strides = array<i32>} : memref<512xf32, #tpu.memory_space<vmem>>, vector<16xf32>,
    }
    %scan3A_34 = arith.constant 32 : i32
    "tpu.region"() ({
      %run_scoped3A = tpu.sem_alloc : memref<!tpu.dma_semaphore, #tpu.memory_space<semaphore_mem>>
      %dma_start3A_35 = tpu.memref_slice %arg9[%mul3A_2] : memref<16384xf32, #tpu.memory_space<hbm>> -> memref<512xf32, #tpu.memory_space<hbm>>
      %dma_start3A_36 = tpu.memref_slice %arg9[%mul3A_2] : memref<16384xf32, #tpu.memory_space<hbm>> -> memref<512xf32, #tpu.memory_space<hbm>>
      tpu.enqueue_dma source(%arg18 : memref<512xf32, #tpu.memory_space<vmem>>) target(%dma_start3A_36 : memref<512xf32, #tpu.memory_space<hbm>>) target_semaphore(%run_scoped3A : memref<!tpu.dma_semaphore, #tpu.memory_space<semaphore_mem>>)
      %dma_wait3A_37 = tpu.memref_slice %arg9[%mul3A_2] : memref<16384xf32, #tpu.memory_space<hbm>> -> memref<512xf32, #tpu.memory_space<hbm>>
      %dma_wait3A_38 = tpu.memref_slice %arg9[%mul3A_2] : memref<16384xf32, #tpu.memory_space<hbm>> -> memref<512xf32, #tpu.memory_space<hbm>>
      tpu.wait_dma2 semaphore(%run_scoped3A : memref<!tpu.dma_semaphore, #tpu.memory_space<semaphore_mem>>) src(%arg18 : memref<512xf32, #tpu.memory_space<vmem>>) dst(%dma_wait3A_38 : memref<512xf32, #tpu.memory_space<hbm>>)
      tpu.yield
    }) : () -> ()
    return
  }
}

</mosaic_0001>

<sc_bundles>
// kernel: kernel.3.cloned.1.call-start
scs
__scs_entry_jumppad:
0x0: {  	(pc) =	sbr.rel $0x88, $3  }
0x1: {  	(tag) =	ssettag $0x0;
	lr =	simm.s32 $0x1  }
0x2: {  	[smem:$0x3F9A] =	sst lr;
	_ =	strace $0xD0000000  }
0x3: {  	_ = 	snop  }
0x4: {  	_ = 	snop  }
0x5: {  	_ = 	snop  }
0x6: {  	_ = 	snop  }
0x7: {  	_ = 	snop  }
__scs_overlays_trampoline_lowered:
0x8: {  	[smem:$0x3FA9] =	sst s0  }
0x9: {  	[smem:$0x3FAA] =	sst s1  }
0xa: {  	[smem:$0x3FAB] =	sst s2  }
0xb: {  	[smem:$0x3FAC] =	sst s3  }
0xc: {  	[smem:$0x3FAD] =	sst s4  }
0xd: {  	[smem:$0x3FAE] =	sst s5  }
0xe: {  	[smem:$0x3FAF] =	sst s6  }
0xf: {  	[smem:$0x3FB0] =	sst s7  }
0x10: {  	[smem:$0x3FB1] =	sst s8  }
0x11: {  	[smem:$0x3FB2] =	sst s9;
	s0 =	simm.s32 @!p0 $0x0  }
0x12: {  	s1 =	sld [smem:$0x3F98];
	s0 =	simm.s32 @p0 $0x1  }
0x13: {  	[smem:$0x3FB3] =	sst s0;
	s0 =	simm.s32 @!p1 $0x0  }
0x14: {  	s2 =	sld [smem:$0x3F97];
	s0 =	simm.s32 @p1 $0x1  }
0x15: {  	[smem:$0x3FB4] =	sst s0;
	s0 =	simm.s32 @!p2 $0x0  }
0x16: {  	s3 =	sld [smem:$0x3FDB];
	s0 =	simm.s32 @p2 $0x1  }
0x17: {  	s4 =	simm.s32 $0x1BF5;
	[smem:$0x3FB6] =	sst s0  }
0x18: {  	s0 =	sld [smem:$0x3F99];
	_ =	swait.ge [sflag:s4], $0x0  }
0x19: {  	s7 =	sld [smem:$0x3F9A]  }
0x1a: {  	s8 =	sadd.s32 $0xFFFFE003, lr  }
0x1b: {  	s9 =	sadd.s32 $0xFFFFFEF7, lr;
	s5 =	simm.s32 $0xFFFFFFFF;
	p2 =	slt.u32 s8, $0xFFFFF086  }
0x1c: {  	p1 =	slt.u32 s9, $0xF7A;
	s5 =	simm.s32 @!p2 $0x0  }
0x1d: {  	s5 =	simm.s32 @p1 $0x1;
	p0 =	seq.s32 s7, s2  }
0x1e: {  	s7 =	smul.u32 @!p0 $0xF7A, s2;
	p2 =	seq.s32 @!p0 s5, $0x0  }
0x1f: {  	s9 =	smul.u32 $0xF7A, s1;
	s8 =	simm.s32 @!p0 $0x1BF5;
	p2 =	por !p2, p0  }
0x20: {  	[sflag:s8] =	ssyncset.s32 @!p0 $0xFFFFF086;
	s6 =	sadd.s32 @!p0 s3, s7;
	s7 =	simm.s32 @!p0 $0x108  }
0x21: {  	s3 =	sadd.s32 s3, s9;
	s6 =	sadd.s32 @!p0 $0x88, s6;
	s7 =	simm.s32 @p2 $0x1082  }
0x22: {  	[simem:s7], [sflag:s8] =	dma.local @!p0 [hbm:s6], $0xF7A  }
0x23: {  	s9 =	sor.u32 $0xD0000000, s2;
	s6 =	simm.s32 $0x108;
	_ =	swait.ge @!p0 [sflag:s8], $0x0  }
0x24: {  	s3 =	sadd.s32 $0x88, s3;
	s6 =	simm.s32 @!p1 $0x1082;
	[sflag:s4] =	ssyncset.s32 $0xFFFFF086  }
0x25: {  	[simem:s6], [sflag:s4] =	dma.local [hbm:s3], $0xF7A  }
0x26: {  	[smem:$0x3F9A] =	sst s1;
	(tag) =	ssettag s2;
	_ =	strace s9  }
0x27: {  	s1 =	sld [smem:$0x3FAA]  }
0x28: {  	s2 =	sld [smem:$0x3FAB]  }
0x29: {  	s4 =	sld [smem:$0x3FAD]  }
0x2a: {  	p0 =	seq.s32 s5, $0x0;
	s5 =	sld [smem:$0x3FAE]  }
0x2b: {  	s6 =	sld [smem:$0x3FAF]  }
0x2c: {  	s7 =	sld [smem:$0x3FB0]  }
0x2d: {  	s3 =	simm.s32 $0x108;
	s8 =	sld [smem:$0x3FB1]  }
0x2e: {  	s3 =	simm.s32 @!p0 $0x1082;
	s9 =	sld [smem:$0x3FB2]  }
0x2f: {  	lr =	sadd.s32 s0, s3;
	s0 =	sld [smem:$0x3FA9]  }
0x30: {  	s3 =	sld [smem:$0x3FAC]  }
0x31: {  	[smem:$0x3FB5] =	sst s10  }
0x32: {  	s10 =	sld [smem:$0x3FB3];
	_ =	sdelay $0x3  }
0x33: {  	p0 =	seq.s32 s10, $0x1;
	s10 =	sld [smem:$0x3FB5];
	_ =	sdelay $0x3  }
0x34: {  	[smem:$0x3FB5] =	sst s10  }
0x35: {  	s10 =	sld [smem:$0x3FB4];
	_ =	sdelay $0x3  }
0x36: {  	p1 =	seq.s32 s10, $0x1;
	s10 =	sld [smem:$0x3FB5];
	_ =	sdelay $0x3  }
0x37: {  	[smem:$0x3FB5] =	sst s10  }
0x38: {  	s10 =	sld [smem:$0x3FB6]  }
0x39: {  	_ = 	snop;
	(pc) =	sbr.ind lr, $3  }
0x3a: {  	_ = 	snop  }
0x3b: {  	_ = 	snop  }
0x3c: {  	p2 =	seq.s32 s10, $0x1;
	s10 =	sld [smem:$0x3FB5]  }
0x3d: {  	_ =	shalt  }
0x3e: {  	_ =	shalt  }
0x3f: {  	_ =	shalt  }
0x40: {  	_ =	shalt  }
0x41: {  	_ =	shalt  }
0x42: {  	_ =	shalt  }
0x43: {  	_ =	shalt  }
0x44: {  	_ =	shalt  }
0x45: {  	_ =	shalt  }
0x46: {  	_ =	shalt  }
0x47: {  	_ =	shalt  }
0x48: {  	_ =	shalt  }
0x49: {  	_ =	shalt  }
0x4a: {  	_ =	shalt  }
0x4b: {  	_ =	shalt  }
0x4c: {  	_ =	shalt  }
0x4d: {  	_ =	shalt  }
0x4e: {  	_ =	shalt  }
0x4f: {  	_ =	shalt  }
0x50: {  	_ =	shalt  }
0x51: {  	_ =	shalt  }
0x52: {  	_ =	shalt  }
0x53: {  	_ =	shalt  }
0x54: {  	_ =	shalt  }
0x55: {  	_ =	shalt  }
0x56: {  	_ =	shalt  }
0x57: {  	_ =	shalt  }
0x58: {  	_ =	shalt  }
0x59: {  	_ =	shalt  }
0x5a: {  	_ =	shalt  }
0x5b: {  	_ =	shalt  }
0x5c: {  	_ =	shalt  }
0x5d: {  	_ =	shalt  }
0x5e: {  	_ =	shalt  }
0x5f: {  	_ =	shalt  }
0x60: {  	_ =	shalt  }
0x61: {  	_ =	shalt  }
0x62: {  	_ =	shalt  }
0x63: {  	_ =	shalt  }
0x64: {  	_ =	shalt  }
0x65: {  	_ =	shalt  }
0x66: {  	_ =	shalt  }
0x67: {  	_ =	shalt  }
0x68: {  	_ =	shalt  }
0x69: {  	_ =	shalt  }
0x6a: {  	_ =	shalt  }
0x6b: {  	_ =	shalt  }
0x6c: {  	_ =	shalt  }
0x6d: {  	_ =	shalt  }
0x6e: {  	_ =	shalt  }
0x6f: {  	_ =	shalt  }
0x70: {  	_ =	shalt  }
0x71: {  	_ =	shalt  }
0x72: {  	_ =	shalt  }
0x73: {  	_ =	shalt  }
0x74: {  	_ =	shalt  }
0x75: {  	_ =	shalt  }
0x76: {  	_ =	shalt  }
0x77: {  	_ =	shalt  }
0x78: {  	_ =	shalt  }
0x79: {  	_ =	shalt  }
0x7a: {  	_ =	shalt  }
0x7b: {  	_ =	shalt  }
0x7c: {  	_ =	shalt  }
0x7d: {  	_ =	shalt  }
0x7e: {  	_ =	shalt  }
0x7f: {  	_ =	shalt  }
0x80: {  	_ =	shalt  }
0x81: {  	_ =	shalt  }
0x82: {  	_ =	shalt  }
0x83: {  	_ =	shalt  }
0x84: {  	_ =	shalt  }
0x85: {  	_ =	shalt  }
0x86: {  	_ =	shalt  }
0x87: {  	_ =	shalt  }
.Lfunc_end0:
.L_simem_size_0:
called_computation_lowered:
.L_overlay_start_0:
0x88: {  	s2 =	sld [smem:$0x3FD9]  }
0x89: {  	s3 =	sld [smem:$0x3FFE];
	_ =	sdelay $0x1  }
0x8a: {  	s1 =	srdreg.scid  }
0x8b: {  	s0 =	sand.u32 $0x1, s1  }
0x8c: {  	s17 =	sshll.u32 s0, $0xA;
	s2 =	sadd.s32 s3, s2  }
0x8d: {  	s2 =	sadd.s32 s2, s17  }
0x8e: {  	[smem:$0x3FC1] =	sst s2  }
0x8f: {  	_ = 	snop  }
0x90: {  	s2 =	sld [smem:$0x3FC9]  }
0x91: {  	s18 =	sld [smem:$0x3FC8]  }
0x92: {  	s4 =	sld [smem:$0x3FD0];
	(tm) =	ssettm $0x1  }
0x93: {  	s5 =	sld [smem:$0x3FFB];
	_ =	sdelay $0x3  }
0x94: {  	_ =	strace s5  }
0x95: {  	s5 =	sld [smem:$0x3FFC];
	_ =	sdelay $0x3  }
0x96: {  	_ =	strace s5  }
0x97: {  	s5 =	sld [smem:$0x3FFD];
	_ =	sdelay $0x3  }
0x98: {  	_ =	strace s5  }
0x99: {  	_ =	strace $0x8FFFFFFF  }
0x9a: {  	s19 =	sld [smem:$0x3FDB];
	_ =	sdelay $0x1  }
0x9b: {  	s6 =	simm.s32 $_scs_section_size  }
0x9c: {  	s7 =	simm.s32 $_size__tile_overlayer_lowered;
	s8 =	simm.s32 $_tile_overlayer_lowered  }
0x9d: {  	s22 =	simm.s32 $0x1BFF;
	s21 =	sshll.u32 s8, $0x1;
	s5 =	sadd.s32 s6, s19  }
0x9e: {  	s9 =	simm.s32 $0x0;
	s20 =	sshll.u32 s7, $0x1;
	s7 =	sadd.s32 s21, s5  }
0x9f: {  	[timem:s9], [sflag:s22] =	dma.local [hbm:s7], s20  }
0xa0: {  	_ =	swait.ge [sflag:s22], s20  }
0xa1: {  	s6 =	ssub.s32 $0x0, s20;
	[sflag:s22] =	ssyncset.done $0x0  }
0xa2: {  	[sflag:s22] =	ssyncadd.s32 s6;
	_ =	sdelay $0x1  }
0xa3: {  	s23 =	simm.s32 $0x1B8B  }
0xa4: {  	_ =	swait.ge [sflag:s23], $0x1  }
0xa5: {  	[sflag:s23] =	ssyncset.done $0x0  }
0xa6: {  	s25 =	simm.s32 $0x1B8E;
	s24 =	sld [smem:$0x3FFE];
	[sflag:s23] =	ssyncadd.s32 $0xFFFFFFFF  }
0xa7: {  	s26 =	simm.s32 $execute0_lowered;
	[smem:$0x3FD2] =	sst s25  }
0xa8: {  	s7 =	sshll.u32 s26, $0x1;
	_ =	strace $0x80000046;
	[dreg:$0x1] =	wrdreg $0xFFFFFFFF  }
0xa9: {  	s28 =	simm.s32 $_size_execute0_lowered;
	s5 =	sadd.s32 s5, s7;
	[dreg:$0x0] =	wrdreg $0x0  }
0xaa: {  	s7 =	sshll.u32 s28, $0x1;
	[dreg:$0x2] =	wrdreg s5  }
0xab: {  	[dreg:$0x3] =	wrdreg s7  }
0xac: {  	[dreg:$0x4] =	wrdreg $0xC0  }
0xad: {  	_ =	task [dreg:s9], $0x5FFFF  }
0xae: {  	[dreg:$0x1] =	wrdreg $0xFFFFFFFF  }
0xaf: {  	[dreg:$0x0] =	wrdreg $0x60  }
0xb0: {  	[dreg:$0x2] =	wrdreg s2  }
0xb1: {  	[dreg:$0x3] =	wrdreg s18  }
0xb2: {  	[dreg:$0x4] =	wrdreg s24  }
0xb3: {  	[dreg:$0x5] =	wrdreg s4  }
0xb4: {  	[dreg:$0x6] =	wrdreg $0x9  }
0xb5: {  	_ =	task.clear_ibuf [dreg:s9], $0x7FFFF;
	_ =	strace $0x90000046  }
0xb6: {  	s29 =	simm.s32 $0x9;
	_ =	strace $0x80000048  }
0xb7: {  	_ =	swait.ge [sflag:s29], $0x1  }
0xb8: {  	[sflag:s29] =	ssyncadd.s32 $0xFFFFFFFF  }
0xb9: {  	_ =	strace $0x90000048  }
0xba: {  	_ =	sfence  }
0xbb: {  	s30 =	sld [smem:$0x0];
	_ =	sdelay $0x2  }
0xbc: {  	s31 =	sshll.u32 s1, $0xD;
	s1 =	sshrl.u32 s1, $0x2  }
0xbd: {  	s3 =	sand.u32 $0x4000, s31;
	s1 =	sadd.s32 s1, s30  }
0xbe: {  	s0 =	sor.u32 s3, s0;
	s1 =	sshll.u32 s1, $0x11  }
0xbf: {  	s0 =	sor.u32 s1, s0  }
0xc0: {  	s0 =	sadd.s32 $0x8F2B, s0  }
0xc1: {  	[sflag:s0] =	ssyncadd.remote.s32 $0x1  }
0xc2: {  	_ =	sfence.sel $0xFFFF  }
0xc3: {  	[dreg:$0x0] =	wrdreg $0xFFFFFFFF;
	(pc) =	sbr.abs _section_cstart, $3  }
0xc4: {  	[dreg:$0x1] =	wrdreg $0xFFFFFFFF  }
0xc5: {  	_ =	task.clear_ibuf [dreg:s9], $0x2FFFF;
	_ =	strace $0x9FFFFFFF  }
0xc6: {  	(tm) =	ssettm $0x7FFFFFFF  }
0xc7: {  	_ =	shalt  }
tec
execute0_lowered:
.L_overlay_start_1:
0x0: {  	(tag) =	ssettag $0x1  }
0x1: {  	s0 =	rddreg [dreg:$0x0]  }
0x2: {  	s3 =	rddreg [dreg:$0x1]  }
0x3: {  	s1 =	rddreg [dreg:$0x2]  }
0x4: {  	s10 =	rddreg [dreg:$0x3]  }
0x5: {  	s2 =	simm.s32 $0x0;
	s6 =	srdreg.scid;
	s11 =	stileid.u32  }
0x6: {  	s15 =	simm.s32 $0x400;
	s16 =	simm.s32 $0x4400;
	s17 =	simm.s32 $0x8400  }
0x7: {  	s18 =	simm.s32 $0x8600;
	s19 =	simm.s32 $0x1;
	s20 =	simm.s32 $0x2  }
0x8: {  	s21 =	simm.s32 $0x8810;
	s22 =	simm.s32 $0x3;
	s23 =	simm.s32 $0x4  }
0x9: {  	s24 =	simm.s32 $0x8A10;
	s25 =	simm.s32 $0x0;
	[smem:$0x7FF] =	sst s2  }
0xa: {  	s4 =	sadd.s32 $0x1313000, s1;
	s5 =	sadd.s32 $0xF42600, s1;
	s7 =	sand.u32 $0x1, s6  }
0xb: {  	s6 =	sadd.s32 $0x1EA00, s1;
	s11 =	sshll.u32 s11, $0x7;
	_ =	strace $0x80000047  }
0xc: {  	s8 =	ssub.s32 $0x2, s7;
	s12 =	sshll.u32 s7, $0x6;
	s7 =	sadd.s32 $0x3D400, s1  }
0xd: {  	s9 =	sshrl.u32 s8, $0x1;
	s11 =	sor.u32 s12, s11;
	s12 =	simm.s32 $0x5  }
0xe: {  	v0 =	vimm.s32 $0x0;
	vm0 =	vcmask $0x300;
	s13 =	ssub.s32 s8, s9;
	s8 =	sadd.s32 s0, s11;
	s9 =	sadd.s32 s3, s11  }
0xf: {  	v0 =	vsel vm0, $0x3, v0;
	vm0 =	vcmask $0x3F3C;
	s10 =	sadd.s32 s10, s11;
	s11 =	smax.u32 s13, $0x1;
	s13 =	simm.s32 $0x200  }
.LBB2_1:
0x10: {  	[tilespmem:s2], [sflag:$0x5] =	stream.linear.gather [hbm4b:s8+s2], $0x200, $0x38;
	[tilespmem:$0x8C10] =	vst v63  }
0x11: {  	_ =	swait.ge [sflag:s12], $0x200  }
0x12: {  	[sflag:s12] =	ssyncset.done $0x0  }
0x13: {  	[sflag:s12] =	ssyncadd.s32 $0xFFFFFE00  }
0x14: {  	[tilespmem:s13], [sflag:$0x5] =	stream.linear.gather [hbm4b:s9+s2], $0x200, $0x38;
	[tilespmem:$0x8C10] =	vst v63  }
0x15: {  	_ =	swait.ge [sflag:s12], $0x200  }
0x16: {  	[sflag:s12] =	ssyncset.done $0x0  }
0x17: {  	s0 =	simm.s32 $0x8800;
	[sflag:s12] =	ssyncadd.s32 $0xFFFFFE00  }
0x18: {  	[tilespmem:s0], [sflag:$0x5] =	stream.linear.gather [hbm4b:s7+s2], $0x10, $0x38;
	[tilespmem:$0x8C10] =	vst v63  }
0x19: {  	_ =	swait.ge [sflag:s12], $0x10  }
0x1a: {  	[sflag:s12] =	ssyncset.done $0x0  }
0x1b: {  	[sflag:s12] =	ssyncadd.s32 $0xFFFFFFF0  }
0x1c: {  	[tilespmem:s15], [sflag:$0x1] =	stream.indirect.gather [hbm4b:s4+s13], $0x20, s2, s13, $0xb8;
	[tilespmem:$0x8C10] =	vst v63  }
0x1d: {  	_ = 	snop  }
0x1e: {  	[tilespmem:s16], [sflag:$0x2] =	stream.indirect.gather [hbm4b:s5+s13], $0x20, s13, s13, $0xb8;
	[tilespmem:$0x8C10] =	vst v63  }
0x1f: {  	_ = 	snop  }
0x20: {  	[tilespmem:s17], [sflag:$0x3] =	stream.indirect.gather [hbm4b:s6+s13], $0x1, s2, s13, $0xb8;
	[tilespmem:$0x8C10] =	vst v63  }
0x21: {  	_ = 	snop  }
0x22: {  	[tilespmem:s18], [sflag:$0x4] =	stream.indirect.gather [hbm4b:s1+s13], $0x1, s13, s13, $0xb8;
	[tilespmem:$0x8C10] =	vst v63  }
0x23: {  	_ =	swait.ge [sflag:s19], $0x4000  }
0x24: {  	[sflag:s19] =	ssyncset.done $0x0  }
0x25: {  	[sflag:s19] =	ssyncadd.s32 $0xFFFFC000  }
0x26: {  	_ =	swait.ge [sflag:s20], $0x4000  }
0x27: {  	[sflag:s20] =	ssyncset.done $0x0  }
0x28: {  	s26 =	simm.s32 $0x480;
	[sflag:s20] =	ssyncadd.s32 $0xFFFFC000  }
0x29: {  	s28 =	simm.s32 $0x4480;
	v1 =	vld [tilespmem:s26+$0xFFFFFF80]  }
0x2a: {  	v2 =	vld [tilespmem:s28+$0xFFFFFF90]  }
0x2b: {  	v3 =	vld [tilespmem:s28+$0xFFFFFF80]  }
0x2c: {  	v4 =	vld [tilespmem:s26+$0xFFFFFF90];
	_ =	sdelay $0x4  }
0x2d: {  	v1 =	vmul.f32 v3, v1;
	v2 =	vmul.f32 v2, v4;
	_ =	sdelay $0x1  }
0x2e: {  	v1 =	vadd.f32 v2, v1;
	_ =	sdelay $0x1  }
0x2f: {  	(xrf2) =	vadd.scan.msk.f32 $0xffff, v1;
	_ =	sdelay $0x1  }
0x30: {  	v1 =	vmov s2  }
0x31: {  	v1 =	vshrl.u32 v1, $0x3  }
0x32: {  	v1 =	vshll.u32 v1, v0  }
0x33: {  	v1 =	vbroadcast v1, $0x0;
	_ =	sdelay $0x4  }
0x34: {  	v2, _, _ =	vpop (xrf2)  }
0x35: {  	[tilespmem:v1+s21+$0x0] =	vst.idx.msk vm0, v2  }
0x36: {  	v1 =	vld [tilespmem:s28+$0xFFFFFFB0]  }
0x37: {  	v2 =	vld [tilespmem:s28+$0xFFFFFFA0]  }
0x38: {  	v3 =	vld [tilespmem:s26+$0xFFFFFFA0]  }
0x39: {  	v58 =	vld [tilespmem:s26+$0xFFFFFFB0];
	_ =	sdelay $0x4  }
0x3a: {  	v2 =	vmul.f32 v2, v3;
	v1 =	vmul.f32 v1, v58;
	_ =	sdelay $0x1  }
0x3b: {  	v1 =	vadd.f32 v1, v2;
	_ =	sdelay $0x1  }
0x3c: {  	s3 =	simm.s32 $0x1;
	(xrf2) =	vadd.scan.msk.f32 $0xffff, v1  }
0x3d: {  	v1 =	vmov s3  }
0x3e: {  	v1 =	vshrl.u32 v1, $0x3  }
0x3f: {  	v1 =	vshll.u32 v1, v0  }
0x40: {  	v1 =	vadd.s32 $0x1, v1  }
0x41: {  	v1 =	vbroadcast v1, $0x0;
	_ =	sdelay $0x4  }
0x42: {  	v2, _, _ =	vpop (xrf2)  }
0x43: {  	[tilespmem:v1+s21+$0x0] =	vst.idx.msk vm0, v2  }
0x44: {  	v1 =	vld [tilespmem:s28+$0xFFFFFFD0]  }
0x45: {  	v2 =	vld [tilespmem:s26+$0xFFFFFFD0]  }
0x46: {  	v3 =	vld [tilespmem:s26+$0xFFFFFFC0]  }
0x47: {  	v59 =	vld [tilespmem:s28+$0xFFFFFFC0];
	_ =	sdelay $0x4  }
0x48: {  	v1 =	vmul.f32 v1, v2;
	v2 =	vmul.f32 v59, v3;
	_ =	sdelay $0x1  }
0x49: {  	v1 =	vadd.f32 v1, v2;
	_ =	sdelay $0x1  }
0x4a: {  	s14 =	simm.s32 $0x2;
	(xrf2) =	vadd.scan.msk.f32 $0xffff, v1  }
0x4b: {  	v1 =	vmov s14  }
0x4c: {  	v1 =	vshrl.u32 v1, $0x3  }
0x4d: {  	v1 =	vshll.u32 v1, v0  }
0x4e: {  	v1 =	vadd.s32 $0x2, v1  }
0x4f: {  	v1 =	vbroadcast v1, $0x0;
	_ =	sdelay $0x4  }
0x50: {  	v2, _, _ =	vpop (xrf2)  }
0x51: {  	[tilespmem:v1+s21+$0x0] =	vst.idx.msk vm0, v2  }
0x52: {  	v1 =	vld [tilespmem:s28+$0xFFFFFFF0]  }
0x53: {  	v2 =	vld [tilespmem:s26+$0xFFFFFFF0]  }
0x54: {  	v3 =	vld [tilespmem:s26+$0xFFFFFFE0]  }
0x55: {  	v60 =	vld [tilespmem:s28+$0xFFFFFFE0];
	_ =	sdelay $0x4  }
0x56: {  	v1 =	vmul.f32 v1, v2;
	v2 =	vmul.f32 v60, v3;
	_ =	sdelay $0x1  }
0x57: {  	v1 =	vadd.f32 v1, v2;
	_ =	sdelay $0x1  }
0x58: {  	s3 =	simm.s32 $0x3;
	(xrf2) =	vadd.scan.msk.f32 $0xffff, v1  }
0x59: {  	v1 =	vmov s3  }
0x5a: {  	v1 =	vshrl.u32 v1, $0x3  }
0x5b: {  	v1 =	vshll.u32 v1, v0  }
0x5c: {  	v1 =	vadd.s32 $0x3, v1  }
0x5d: {  	v1 =	vbroadcast v1, $0x0;
	_ =	sdelay $0x4  }
0x5e: {  	v2, _, _ =	vpop (xrf2)  }
0x5f: {  	[tilespmem:v1+s21+$0x0] =	vst.idx.msk vm0, v2  }
0x60: {  	v1 =	vld [tilespmem:s28+$0x10]  }
0x61: {  	v2 =	vld [tilespmem:s26+$0x0]  }
0x62: {  	v3 =	vld [tilespmem:s28+$0x0]  }
0x63: {  	v61 =	vld [tilespmem:s26+$0x10];
	_ =	sdelay $0x4  }
0x64: {  	v2 =	vmul.f32 v3, v2;
	v1 =	vmul.f32 v1, v61;
	_ =	sdelay $0x1  }
0x65: {  	v1 =	vadd.f32 v1, v2;
	_ =	sdelay $0x1  }
0x66: {  	s14 =	simm.s32 $0x4;
	(xrf2) =	vadd.scan.msk.f32 $0xffff, v1  }
0x67: {  	v1 =	vmov s14  }
0x68: {  	v1 =	vshrl.u32 v1, $0x3  }
0x69: {  	v1 =	vshll.u32 v1, v0  }
0x6a: {  	v1 =	vadd.s32 $0x4, v1  }
0x6b: {  	v1 =	vbroadcast v1, $0x0;
	_ =	sdelay $0x4  }
0x6c: {  	v2, _, _ =	vpop (xrf2)  }
0x6d: {  	[tilespmem:v1+s21+$0x0] =	vst.idx.msk vm0, v2  }
0x6e: {  	v1 =	vld [tilespmem:s26+$0x30]  }
0x6f: {  	v2 =	vld [tilespmem:s26+$0x20]  }
0x70: {  	v3 =	vld [tilespmem:s28+$0x30]  }
0x71: {  	v62 =	vld [tilespmem:s28+$0x20];
	_ =	sdelay $0x4  }
0x72: {  	v1 =	vmul.f32 v3, v1;
	v2 =	vmul.f32 v62, v2;
	_ =	sdelay $0x1  }
0x73: {  	v1 =	vadd.f32 v1, v2;
	_ =	sdelay $0x1  }
0x74: {  	s3 =	simm.s32 $0x5;
	(xrf2) =	vadd.scan.msk.f32 $0xffff, v1  }
0x75: {  	v1 =	vmov s3  }
0x76: {  	v1 =	vshrl.u32 v1, $0x3  }
0x77: {  	v1 =	vshll.u32 v1, v0  }
0x78: {  	v1 =	vadd.s32 $0x5, v1  }
0x79: {  	v1 =	vbroadcast v1, $0x0;
	_ =	sdelay $0x4  }
0x7a: {  	v2, _, _ =	vpop (xrf2)  }
0x7b: {  	[tilespmem:v1+s21+$0x0] =	vst.idx.msk vm0, v2  }
0x7c: {  	v1 =	vld [tilespmem:s28+$0x50]  }
0x7d: {  	v2 =	vld [tilespmem:s26+$0x50]  }
0x7e: {  	v3 =	vld [tilespmem:s26+$0x40]  }
0x7f: {  	v63 =	vld [tilespmem:s28+$0x40];
	_ =	sdelay $0x4  }
0x80: {  	v1 =	vmul.f32 v1, v2;
	v2 =	vmul.f32 v63, v3;
	_ =	sdelay $0x1  }
0x81: {  	v1 =	vadd.f32 v1, v2;
	_ =	sdelay $0x1  }
0x82: {  	s14 =	simm.s32 $0x6;
	(xrf2) =	vadd.scan.msk.f32 $0xffff, v1  }
0x83: {  	v1 =	vmov s14  }
0x84: {  	v1 =	vshrl.u32 v1, $0x3  }
0x85: {  	v1 =	vshll.u32 v1, v0  }
0x86: {  	v1 =	vadd.s32 $0x6, v1  }
0x87: {  	v1 =	vbroadcast v1, $0x0;
	_ =	sdelay $0x4  }
0x88: {  	v2, _, _ =	vpop (xrf2)  }
0x89: {  	[tilespmem:v1+s21+$0x0] =	vst.idx.msk vm0, v2  }
0x8a: {  	v1 =	vld [tilespmem:s26+$0x60]  }
0x8b: {  	s30 =	simm.s32 $0x8;
	s31 =	simm.s32 $0x4480;
	s29 =	simm.s32 $0x0;
	v2 =	vld [tilespmem:s28+$0x70]  }
.LBB2_2:
0x8c: {  	p0 =	slt.u32 s30, $0x1F8;
	v3 =	vld [tilespmem:s26+$0x70];
	s28 =	sadd.s32 $0x100, s28;
	s26 =	sadd.s32 $0x100, s26  }
0x8d: {  	s0 =	smov.u32 s30;
	s30 =	sadd.s32 $0x8, s30;
	v4 =	vld [tilespmem:s31+$0x60];
	s31 =	smov.u32 s28  }
0x8e: {  	_ =	sdelay $0x2  }
0x8f: {  	v2 =	vmul.f32 v2, v3  }
0x90: {  	v1 =	vmul.f32 v4, v1;
	_ =	sdelay $0x1  }
0x91: {  	v1 =	vadd.f32 v2, v1  }
0x92: {  	s3 =	sadd.s32 $0x7, s29;
	s29 =	smov.u32 s0  }
0x93: {  	v2 =	vmov s3;
	(xrf2) =	vadd.scan.msk.f32 $0xffff, v1  }
0x94: {  	v1 =	vshrl.u32 v2, $0x3  }
0x95: {  	v1 =	vshll.u32 v1, v0  }
0x96: {  	v1 =	vadd.s32 $0x7, v1  }
0x97: {  	v1 =	vbroadcast v1, $0x0;
	_ =	sdelay $0x5  }
0x98: {  	v2, _, _ =	vpop (xrf2)  }
0x99: {  	[tilespmem:v1+s21+$0x0] =	vst.idx.msk vm0, v2  }
0x9a: {  	v1 =	vld [tilespmem:s26+$0xFFFFFF80]  }
0x9b: {  	v2 =	vld [tilespmem:s28+$0xFFFFFF90]  }
0x9c: {  	v3 =	vld [tilespmem:s28+$0xFFFFFF80]  }
0x9d: {  	v4 =	vld [tilespmem:s26+$0xFFFFFF90];
	_ =	sdelay $0x3  }
0x9e: {  	v1 =	vmul.f32 v3, v1  }
0x9f: {  	v2 =	vmul.f32 v2, v4;
	_ =	sdelay $0x1  }
0xa0: {  	v1 =	vadd.f32 v2, v1;
	_ =	sdelay $0x1  }
0xa1: {  	(xrf2) =	vadd.scan.msk.f32 $0xffff, v1;
	_ =	sdelay $0x1  }
0xa2: {  	v1 =	vmov s29  }
0xa3: {  	v1 =	vshrl.u32 v1, $0x3  }
0xa4: {  	v1 =	vshll.u32 v1, v0  }
0xa5: {  	v1 =	vbroadcast v1, $0x0;
	_ =	sdelay $0x4  }
0xa6: {  	v2, _, _ =	vpop (xrf2)  }
0xa7: {  	[tilespmem:v1+s21+$0x0] =	vst.idx.msk vm0, v2  }
0xa8: {  	v1 =	vld [tilespmem:s28+$0xFFFFFFB0]  }
0xa9: {  	v2 =	vld [tilespmem:s28+$0xFFFFFFA0]  }
0xaa: {  	v3 =	vld [tilespmem:s26+$0xFFFFFFA0]  }
0xab: {  	v4 =	vld [tilespmem:s26+$0xFFFFFFB0];
	_ =	sdelay $0x3  }
0xac: {  	v2 =	vmul.f32 v2, v3  }
0xad: {  	v1 =	vmul.f32 v1, v4;
	_ =	sdelay $0x1  }
0xae: {  	v1 =	vadd.f32 v1, v2;
	_ =	sdelay $0x1  }
0xaf: {  	s0 =	sadd.s32 $0x1, s29;
	(xrf2) =	vadd.scan.msk.f32 $0xffff, v1  }
0xb0: {  	v1 =	vmov s0  }
0xb1: {  	v1 =	vshrl.u32 v1, $0x3  }
0xb2: {  	v1 =	vshll.u32 v1, v0  }
0xb3: {  	v1 =	vadd.s32 $0x1, v1  }
0xb4: {  	v1 =	vbroadcast v1, $0x0;
	_ =	sdelay $0x4  }
0xb5: {  	v2, _, _ =	vpop (xrf2)  }
0xb6: {  	[tilespmem:v1+s21+$0x0] =	vst.idx.msk vm0, v2  }
0xb7: {  	v1 =	vld [tilespmem:s28+$0xFFFFFFD0]  }
0xb8: {  	v2 =	vld [tilespmem:s26+$0xFFFFFFD0]  }
0xb9: {  	v3 =	vld [tilespmem:s26+$0xFFFFFFC0]  }
0xba: {  	v4 =	vld [tilespmem:s28+$0xFFFFFFC0];
	_ =	sdelay $0x2  }
0xbb: {  	v1 =	vmul.f32 v1, v2;
	_ =	sdelay $0x1  }
0xbc: {  	v2 =	vmul.f32 v4, v3;
	_ =	sdelay $0x1  }
0xbd: {  	v1 =	vadd.f32 v1, v2;
	_ =	sdelay $0x1  }
0xbe: {  	s0 =	sadd.s32 $0x2, s29;
	(xrf2) =	vadd.scan.msk.f32 $0xffff, v1  }
0xbf: {  	v1 =	vmov s0  }
0xc0: {  	v1 =	vshrl.u32 v1, $0x3  }
0xc1: {  	v1 =	vshll.u32 v1, v0  }
0xc2: {  	v1 =	vadd.s32 $0x2, v1  }
0xc3: {  	v1 =	vbroadcast v1, $0x0;
	_ =	sdelay $0x4  }
0xc4: {  	v2, _, _ =	vpop (xrf2)  }
0xc5: {  	[tilespmem:v1+s21+$0x0] =	vst.idx.msk vm0, v2  }
0xc6: {  	v1 =	vld [tilespmem:s28+$0xFFFFFFF0]  }
0xc7: {  	v2 =	vld [tilespmem:s26+$0xFFFFFFF0]  }
0xc8: {  	v3 =	vld [tilespmem:s26+$0xFFFFFFE0]  }
0xc9: {  	v4 =	vld [tilespmem:s28+$0xFFFFFFE0];
	_ =	sdelay $0x3  }
0xca: {  	v1 =	vmul.f32 v1, v2  }
0xcb: {  	v2 =	vmul.f32 v4, v3;
	_ =	sdelay $0x1  }
0xcc: {  	v1 =	vadd.f32 v1, v2;
	_ =	sdelay $0x1  }
0xcd: {  	s0 =	sadd.s32 $0x3, s29;
	(xrf2) =	vadd.scan.msk.f32 $0xffff, v1  }
0xce: {  	v1 =	vmov s0  }
0xcf: {  	v1 =	vshrl.u32 v1, $0x3  }
0xd0: {  	v1 =	vshll.u32 v1, v0  }
0xd1: {  	v1 =	vadd.s32 $0x3, v1  }
0xd2: {  	v1 =	vbroadcast v1, $0x0;
	_ =	sdelay $0x4  }
0xd3: {  	v2, _, _ =	vpop (xrf2)  }
0xd4: {  	[tilespmem:v1+s21+$0x0] =	vst.idx.msk vm0, v2  }
0xd5: {  	v1 =	vld [tilespmem:s28+$0x10]  }
0xd6: {  	v2 =	vld [tilespmem:s26+$0x0]  }
0xd7: {  	v3 =	vld [tilespmem:s28+$0x0]  }
0xd8: {  	v4 =	vld [tilespmem:s26+$0x10];
	_ =	sdelay $0x3  }
0xd9: {  	v2 =	vmul.f32 v3, v2  }
0xda: {  	v1 =	vmul.f32 v1, v4;
	_ =	sdelay $0x1  }
0xdb: {  	v1 =	vadd.f32 v1, v2;
	_ =	sdelay $0x1  }
0xdc: {  	s0 =	sadd.s32 $0x4, s29;
	(xrf2) =	vadd.scan.msk.f32 $0xffff, v1  }
0xdd: {  	v1 =	vmov s0  }
0xde: {  	v1 =	vshrl.u32 v1, $0x3  }
0xdf: {  	v1 =	vshll.u32 v1, v0  }
0xe0: {  	v1 =	vadd.s32 $0x4, v1  }
0xe1: {  	v1 =	vbroadcast v1, $0x0;
	_ =	sdelay $0x4  }
0xe2: {  	v2, _, _ =	vpop (xrf2)  }
0xe3: {  	[tilespmem:v1+s21+$0x0] =	vst.idx.msk vm0, v2  }
0xe4: {  	v1 =	vld [tilespmem:s26+$0x30]  }
0xe5: {  	v2 =	vld [tilespmem:s26+$0x20]  }
0xe6: {  	v3 =	vld [tilespmem:s28+$0x30]  }
0xe7: {  	v4 =	vld [tilespmem:s28+$0x20];
	_ =	sdelay $0x3  }
0xe8: {  	v1 =	vmul.f32 v3, v1  }
0xe9: {  	v2 =	vmul.f32 v4, v2;
	_ =	sdelay $0x1  }
0xea: {  	v1 =	vadd.f32 v1, v2;
	_ =	sdelay $0x1  }
0xeb: {  	s0 =	sadd.s32 $0x5, s29;
	(xrf2) =	vadd.scan.msk.f32 $0xffff, v1  }
0xec: {  	v1 =	vmov s0  }
0xed: {  	v1 =	vshrl.u32 v1, $0x3  }
0xee: {  	v1 =	vshll.u32 v1, v0  }
0xef: {  	v1 =	vadd.s32 $0x5, v1  }
0xf0: {  	v1 =	vbroadcast v1, $0x0;
	_ =	sdelay $0x4  }
0xf1: {  	v2, _, _ =	vpop (xrf2)  }
0xf2: {  	[tilespmem:v1+s21+$0x0] =	vst.idx.msk vm0, v2  }
0xf3: {  	v1 =	vld [tilespmem:s28+$0x50]  }
0xf4: {  	v2 =	vld [tilespmem:s26+$0x50]  }
0xf5: {  	v3 =	vld [tilespmem:s26+$0x40]  }
0xf6: {  	v4 =	vld [tilespmem:s28+$0x40];
	_ =	sdelay $0x2  }
0xf7: {  	v1 =	vmul.f32 v1, v2;
	_ =	sdelay $0x1  }
0xf8: {  	v2 =	vmul.f32 v4, v3;
	_ =	sdelay $0x1  }
0xf9: {  	v1 =	vadd.f32 v1, v2;
	_ =	sdelay $0x1  }
0xfa: {  	s0 =	sadd.s32 $0x6, s29;
	(xrf2) =	vadd.scan.msk.f32 $0xffff, v1  }
0xfb: {  	v1 =	vmov s0  }
0xfc: {  	v1 =	vshrl.u32 v1, $0x3  }
0xfd: {  	v1 =	vshll.u32 v1, v0  }
0xfe: {  	v1 =	vadd.s32 $0x6, v1  }
0xff: {  	v1 =	vbroadcast v1, $0x0;
	_ =	sdelay $0x3  }
.Ltmp0:
0x100: {  	(pc) =	sbr.rel @p0 .LBB2_2-.Ltmp0, $4  }
0x101: {  	v2, _, _ =	vpop (xrf2)  }
0x102: {  	[tilespmem:v1+s21+$0x0] =	vst.idx.msk vm0, v2  }
0x103: {  	v1 =	vld [tilespmem:s26+$0x60]  }
0x104: {  	v2 =	vld [tilespmem:s28+$0x70]  }
0x105: {  	v3 =	vld [tilespmem:s26+$0x70]  }
0x106: {  	v4 =	vld [tilespmem:s31+$0x60];
	_ =	sdelay $0x4  }
0x107: {  	v2 =	vmul.f32 v2, v3;
	v1 =	vmul.f32 v4, v1;
	_ =	sdelay $0x1  }
0x108: {  	v1 =	vadd.f32 v2, v1;
	_ =	sdelay $0x1  }
0x109: {  	s0 =	sadd.s32 $0x7, s29;
	(xrf2) =	vadd.scan.msk.f32 $0xffff, v1  }
0x10a: {  	v1 =	vmov s0  }
0x10b: {  	v1 =	vshrl.u32 v1, $0x3  }
0x10c: {  	v1 =	vshll.u32 v1, v0  }
0x10d: {  	v1 =	vadd.s32 $0x7, v1  }
0x10e: {  	v1 =	vbroadcast v1, $0x0;
	_ =	sdelay $0x4  }
0x10f: {  	v2, _, _ =	vpop (xrf2)  }
0x110: {  	[tilespmem:v1+s21+$0x0] =	vst.idx.msk vm0, v2  }
0x111: {  	_ =	swait.ge [sflag:s22], $0x200  }
0x112: {  	[sflag:s22] =	ssyncset.done $0x0  }
0x113: {  	[sflag:s22] =	ssyncadd.s32 $0xFFFFFE00  }
0x114: {  	_ =	swait.ge [sflag:s23], $0x200  }
0x115: {  	[sflag:s23] =	ssyncset.done $0x0  }
0x116: {  	s26 =	simm.s32 $0x0;
	[sflag:s23] =	ssyncadd.s32 $0xFFFFFE00  }
0x117: {  	v2 =	vld [tilespmem:s26+$0x8810]  }
0x118: {  	v3 =	vld [tilespmem:s26+$0x8400]  }
0x119: {  	s28 =	simm.s32 $0x10;
	v4 =	vld [tilespmem:s26+$0x8600]  }
0x11a: {  	v5 =	vld [tilespmem:s28+$0x8810]  }
0x11b: {  	v6 =	vld [tilespmem:s28+$0x8400]  }
0x11c: {  	v1 =	vld [tilespmem:$0x8800]  }
0x11d: {  	v2 =	vadd.f32 v3, v2  }
0x11e: {  	v3 =	vld [tilespmem:s28+$0x8600]  }
0x11f: {  	v2 =	vadd.f32 v4, v2;
	_ =	sdelay $0x1  }
0x120: {  	s29 =	simm.s32 $0x20;
	v4 =	vadd.f32 v6, v5;
	v2 =	vadd.f32 v2, v1  }
0x121: {  	v5 =	vld [tilespmem:s29+$0x8810]  }
0x122: {  	s30 =	simm.s32 $0x30;
	v6 =	vld [tilespmem:s29+$0x8400];
	v3 =	vadd.f32 v3, v4;
	v2 =	vsub.f32 $0.0e+00, v2  }
0x123: {  	v7 =	vld [tilespmem:s30+$0x8810]  }
0x124: {  	v4 =	vld [tilespmem:s29+$0x8600];
	v3 =	vadd.f32 v3, v1;
	v2 =	vmul.f32 $1.442695020e+00, v2  }
0x125: {  	v8 =	vld [tilespmem:s30+$0x8400]  }
0x126: {  	v3 =	vsub.f32 $0.0e+00, v3;
	(erf) = vpow2.f32 v2  }
0x127: {  	v5 =	vadd.f32 v6, v5;
	v2 =	vld [tilespmem:s30+$0x8600]  }
0x128: {  	s31 =	simm.s32 $0x40;
	v3 =	vmul.f32 $1.442695020e+00, v3  }
0x129: {  	v6 =	vld [tilespmem:s31+$0x8400];
	v4 =	vadd.f32 v4, v5  }
0x12a: {  	v5 =	vadd.f32 v8, v7;
	(erf) = vpow2.f32 v3;
	v3 =	vld [tilespmem:s31+$0x8810]  }
0x12b: {  	v4 =	vadd.f32 v4, v1  }
0x12c: {  	v2 =	vadd.f32 v2, v5  }
0x12d: {  	v4 =	vsub.f32 $0.0e+00, v4  }
0x12e: {  	v2 =	vadd.f32 v2, v1  }
0x12f: {  	v5 =	vld [tilespmem:s31+$0x8600];
	v4 =	vmul.f32 $1.442695020e+00, v4;
	v3 =	vadd.f32 v6, v3;
	v7 =	vpop (erf)  }
0x130: {  	v6 =	vsub.f32 $0.0e+00, v2;
	v7 =	vadd.f32 $1.000000000e+00, v7  }
0x131: {  	(erf) = vpow2.f32 v4  }
0x132: {  	s0 =	simm.s32 $0x50;
	v9 =	vmul.f32 $1.442695020e+00, v6;
	(erf) = vrcp.f32 v7  }
0x133: {  	v2 =	vld [tilespmem:s0+$0x8810]  }
0x134: {  	v8 =	vadd.f32 v5, v3;
	v3 =	vld [tilespmem:s0+$0x8400];
	v5 =	vpop (erf);
	(erf) = vpow2.f32 v9;
	_ =	sdelay $0x1  }
0x135: {  	v4 =	vld [tilespmem:s0+$0x8600];
	v5 =	vadd.f32 $1.000000000e+00, v5  }
0x136: {  	s3 =	simm.s32 $0x180;
	v6 =	vadd.f32 v8, v1  }
.LBB2_4:
0x137: {  	s14 =	sshra.s32 s3, $0x2;
	(erf) = vrcp.f32 v5;
	p0 =	sne.s32 s3, $0x7C0  }
.Ltmp1:
0x138: {  	v5 =	vadd.f32 v3, v2;
	v2 =	vld [tilespmem:s14+$0x8810];
	v10 =	vsub.f32 $0.0e+00, v6;
	(pc) =	sbr.rel @p0 .LBB2_4-.Ltmp1, $4  }
0x139: {  	s3 =	sadd.s32 $0x40, s3;
	v3 =	vld [tilespmem:s14+$0x8400];
	v7 =	vpop (erf)  }
0x13a: {  	v8 =	vadd.f32 v4, v5;
	v9 =	vmul.f32 $1.442695020e+00, v10;
	v6 =	vpop (erf)  }
0x13b: {  	v5 =	vadd.f32 $1.000000000e+00, v7;
	v4 =	vld [tilespmem:s14+$0x8600];
	[tilespmem:s26+$0x8A10] =	vst v6;
	s26 =	smov.u32 s28;
	s28 =	smov.u32 s29;
	s29 =	smov.u32 s30  }
0x13c: {  	s30 =	smov.u32 s31;
	s31 =	smov.u32 s0;
	s0 =	smov.u32 s14;
	v6 =	vadd.f32 v8, v1;
	(erf) = vpow2.f32 v9  }
0x13d: {  	_ = 	snop  }
0x13e: {  	v2 =	vadd.f32 v3, v2;
	_ =	sdelay $0x1  }
0x13f: {  	v2 =	vadd.f32 v4, v2;
	_ =	sdelay $0x1  }
0x140: {  	v3 =	vsub.f32 $0.0e+00, v6;
	v1 =	vadd.f32 v2, v1;
	_ =	sdelay $0x1  }
0x141: {  	v3 =	vmul.f32 $1.442695020e+00, v3;
	v2 =	vpop (erf);
	v1 =	vsub.f32 $0.0e+00, v1  }
0x142: {  	(erf) = vrcp.f32 v5;
	v2 =	vadd.f32 $1.000000000e+00, v2  }
0x143: {  	(erf) = vpow2.f32 v3;
	v1 =	vmul.f32 $1.442695020e+00, v1  }
0x144: {  	(erf) = vrcp.f32 v2  }
0x145: {  	(erf) = vpow2.f32 v1;
	_ =	sdelay $0x3  }
0x146: {  	v1 =	vpop (erf)  }
0x147: {  	v2 =	vpop (erf)  }
0x148: {  	v3 =	vpop (erf)  }
0x149: {  	v61 =	vpop (erf)  }
0x14a: {  	v2 =	vadd.f32 $1.000000000e+00, v2;
	v62 =	vpop (erf)  }
0x14b: {  	v4 =	vadd.f32 $1.000000000e+00, v61;
	v63 =	vpop (erf)  }
0x14c: {  	(erf) = vrcp.f32 v2;
	v2 =	vadd.f32 $1.000000000e+00, v63  }
0x14d: {  	(erf) = vrcp.f32 v4  }
0x14e: {  	(erf) = vrcp.f32 v2;
	_ =	sdelay $0x4  }
0x14f: {  	[tilespmem:s26+$0x8A10] =	vst v1  }
0x150: {  	[tilespmem:s28+$0x8A10] =	vst v3  }
0x151: {  	[tilespmem:s29+$0x8A10] =	vst v62;
	v1 =	vpop (erf)  }
0x152: {  	s25 =	sadd.s32 $0x1, s25;
	[tilespmem:s30+$0x8A10] =	vst v1;
	v1 =	vpop (erf)  }
0x153: {  	p0 =	sne.s32 s25, s11;
	[tilespmem:s31+$0x8A10] =	vst v1;
	v1 =	vpop (erf)  }
.Ltmp2:
0x154: {  	[tilespmem:s0+$0x8A10] =	vst v1;
	(pc) =	sbr.rel @p0 .LBB2_1-.Ltmp2, $4  }
0x155: {  	[hbm4b:s10+s2] =	stream.linear.scatter [tilespmem:s24], [sflag:$0x5], $0x200, $0x38;
	[tilespmem:$0x8C10] =	vst v63  }
0x156: {  	_ =	swait.ge [sflag:s12], $0x200  }
0x157: {  	[sflag:s12] =	ssyncset.done $0x0  }
0x158: {  	[sflag:s12] =	ssyncadd.s32 $0xFFFFFE00  }
0x159: {  	_ =	sfence.sel $0x180000  }
0x15a: {  	[bflag:$0x0] =	sbarrier.arrive $0xFFFF  }
0x15b: {  	_ =	strace $0x90000047  }
0x15c: {  	s0 =	stileid.u32;
	[bflag:$0x2] =	sbarrier.arrive $0xFFFF  }
0x15d: {  	p0 =	sne.s32 s0, $0x0;
	s0 =	rddreg [dreg:$0x4]  }
0x15e: {  	s0 =	sadd.s32 @!p0 $0x100000, s0  }
0x15f: {  	[sflag:s0] =	ssyncadd.tile.s32 @!p0 $0x1;
	_ =	shalt  }
.Lfunc_end2:
_tile_overlayer_lowered:
.L_overlay_start_2:
0x160: {  	(tag) =	ssettag $0x2  }
0x161: {  	s0 =	rddreg [dreg:$0x0];
	s2 =	stileid.u32  }
0x162: {  	s1 =	rddreg [dreg:$0x1];
	p0 =	sne.s32 s2, $0x0  }
0x163: {  	s3 =	rddreg [dreg:$0x2];
	[bflag:$0x3] =	sbarrier.arrive $0xFFFF;
	s2 =	simm.s32 @!p0 $0x1C05  }
0x164: {  	[timem:s3], [sflag:s2] =	dma.local @!p0 [hbm:s0], s1  }
0x165: {  	s0 =	simm.s32 @!p0 $0x5  }
0x166: {  	_ =	swait.ge @!p0 [sflag:s0], s1  }
0x167: {  	s1 =	ssub.s32 @!p0 $0x0, s1;
	[sflag:s0] =	ssyncset.done @!p0 $0x0  }
0x168: {  	[sflag:s0] =	ssyncadd.s32 @!p0 s1  }
0x169: {  	[bflag:$0x3] =	sbarrier.arrive $0xFFFF  }
0x16a: {  	_ =	shalt  }

</sc_bundles>
